<compile_context>
chip_gen: v7x
topology: tpu7x:2x2x1
jax: 0.10.2.dev20260603
libtpu: 0.0.44.dev20260713+nightly
codegen_flags: <defaults>
</compile_context>

<pallas_src>
import functools

import jax
import jax.numpy as jnp
from jax.experimental import pallas as pl
from jax.experimental.pallas import tpu as pltpu


def _corr_kernel(f1_ref, f2_ref, out_ref, *, scale):
    out_ref[...] = jax.lax.dot_general(
        f1_ref[...], f2_ref[...],
        dimension_numbers=(((1,), (0,)), ((), ())),
        preferred_element_type=jnp.float32,
    ) * scale


def _corr(f1t, f2, blk=512):
    N1, C = f1t.shape
    N2 = f2.shape[1]
    scale = 1.0 / jnp.sqrt(jnp.float32(C)).astype(jnp.float32)
    grid = (N1 // blk,)
    return pl.pallas_call(
        functools.partial(_corr_kernel, scale=float(1.0 / (C ** 0.5))),
        grid=grid,
        in_specs=[
            pl.BlockSpec((blk, C), lambda i: (i, 0)),
            pl.BlockSpec((C, N2), lambda i: (0, 0)),
        ],
        out_specs=pl.BlockSpec((blk, N2), lambda i: (i, 0)),
        out_shape=jax.ShapeDtypeStruct((N1, N2), jnp.float32),
    )(f1t, f2)


def kernel(fmap1, fmap2, xyz1, xyz2, truncate_k):
    B, C, N1 = fmap1.shape
    N2 = fmap2.shape[2]
    K = N2 // 4
    f1t = fmap1[0].T
    f2 = fmap2[0]
    corr = _corr(f1t, f2)[None]
    vals, idx = jax.lax.top_k(corr, K)
    nbr = jax.vmap(lambda x, i: x[i])(xyz2, idx)
    weights = jax.nn.softmax(vals, axis=-1)
    pred = jnp.einsum('bnk,bnkc->bnc', weights, nbr)
    flow = pred - xyz1
    return flow, vals, idx

# --- scband reference (transcript-rebuilt; emitter-appended) ---
"""Pipeline reference for scband-rsf-46832323395791 (READ-ONLY COPY).

The authoritative reference and input builder live on the scoring server;
editing this copy changes nothing except your own understanding.
"""

import jax, jax.numpy as jnp
import numpy as np


def setup_inputs(seed: int = 0) -> dict:
    key = jax.random.key(seed)
    k1, k2, k3, k4 = jax.random.split(key, 4)
    B, C, N = 1, 64, 8192
    fmap1 = jax.random.normal(k1, (B, C, N), dtype=jnp.float32)
    fmap2 = jax.random.normal(k2, (B, C, N), dtype=jnp.float32)
    xyz1 = jax.random.uniform(k3, (B, N, 3), dtype=jnp.float32)
    xyz2 = jax.random.uniform(k4, (B, N, 3), dtype=jnp.float32)
    return {"fmap1": fmap1, "fmap2": fmap2, "xyz1": xyz1, "xyz2": xyz2, "truncate_k": 2048}


def reference(fmap1, fmap2, xyz1, xyz2, truncate_k):
    # Core of RSF's CorrBlock.init_module + truncated-correlation retrieval:
    # 1) all-pairs feature correlation between source and target point clouds
    # 2) keep top truncate_k = N/4 most-correlated target points per source point
    # 3) gather the retrieved neighbor coordinates and softly aggregate them
    B, C, N1 = fmap1.shape
    N2 = fmap2.shape[2]
    K = N2 // 4
    corr = jnp.einsum('bcn,bcm->bnm', fmap1, fmap2) / jnp.sqrt(jnp.float32(C))  # [B, N1, N2]
    vals, idx = jax.lax.top_k(corr, K)  # [B, N1, K], [B, N1, K]
    idx = idx + jnp.asarray(truncate_k, dtype=idx.dtype) * 0
    # gather retrieved neighbor xyz: xyz2[b, idx[b, n, k], :]
    nbr = jax.vmap(lambda x, i: x[i])(xyz2, idx)  # [B, N1, K, 3]
    weights = jax.nn.softmax(vals, axis=-1)  # [B, N1, K]
    pred = jnp.einsum('bnk,bnkc->bnc', weights, nbr)  # soft-correspondence coords [B, N1, 3]
    flow = pred - xyz1  # predicted scene flow
    return flow, vals, idx

if __name__ == "__main__":
    import jax
    _d = setup_inputs()
    print(jax.jit(kernel)(*tuple(_d.values())))

</pallas_src>

<mosaic_0001>
module attributes {stable_mosaic.version = 14 : i64} {
  func.func @_corr_kernel(%arg0: i32, %arg1: memref<512x64xf32, #tpu.memory_space<vmem>>, %arg2: memref<64x8192xf32, #tpu.memory_space<vmem>>, %arg3: memref<512x8192xf32, #tpu.memory_space<vmem>>) attributes {dimension_semantics = [#tpu.dimension_semantics<arbitrary>], iteration_bounds = array<i64: 16>, scalar_prefetch = 0 : i64, scratch_operands = 0 : i64, tpu.core_type = #tpu.core_type<tc>, window_params = [{transform_indices = @transform_0, window_bounds = array<i64: 512, 64>}, {pipeline_mode = #tpu.pipeline_mode<synchronous>, transform_indices = @transform_1, window_bounds = array<i64: 64, 8192>}, {transform_indices = @transform_2, window_bounds = array<i64: 512, 8192>}]} {
    %get3A = arith.constant 0 : index
    %get3A_0 = arith.constant 0 : index
    %get3A_1 = vector.load %arg1[%get3A, %get3A_0] : memref<512x64xf32, #tpu.memory_space<vmem>>, vector<512x64xf32>
    %get3A_2 = arith.constant 0 : index
    %get3A_3 = arith.constant 0 : index
    %get3A_4 = vector.load %arg2[%get3A_2, %get3A_3] : memref<64x8192xf32, #tpu.memory_space<vmem>>, vector<64x8192xf32>
    %dot_general3A = arith.constant dense<0.000000e+00> : vector<512x8192xf32>
    %dot_general3A_5 = tpu.matmul %get3A_1, %get3A_4, %dot_general3A {dimension_numbers = #tpu.dot_dimension_numbers<[1], [0], [0], [1], [0, 0, 1, 1], [], []>, transpose_lhs_hint = false} : vector<512x64xf32>, vector<64x8192xf32>, vector<512x8192xf32> -> vector<512x8192xf32>
    %mul3A = arith.constant 1.250000e-01 : f32
    %mul3A_6 = vector.broadcast %mul3A : f32 to vector<512x8192xf32>
    %mul3A_7 = arith.mulf %dot_general3A_5, %mul3A_6 : vector<512x8192xf32>
    %swap3A = arith.constant 0 : index
    %swap3A_8 = arith.constant 0 : index
    %swap3A_9 = vector.load %arg3[%swap3A, %swap3A_8] : memref<512x8192xf32, #tpu.memory_space<vmem>>, vector<512x8192xf32>
    tpu.vector_store %arg3[%swap3A, %swap3A_8], %mul3A_7 {strides = array<i32>} : memref<512x8192xf32, #tpu.memory_space<vmem>>, vector<512x8192xf32>,
    return
  }
  func.func @transform_0(%arg0: i32) -> (i32, i32) {
    %c0_i32 = arith.constant 0 : i32
    %c0_i32_0 = arith.constant 0 : i32
    return %arg0, %c0_i32 : i32, i32
  }
  func.func @transform_1(%arg0: i32) -> (i32, i32) {
    %c0_i32 = arith.constant 0 : i32
    %c0_i32_0 = arith.constant 0 : i32
    %c0_i32_1 = arith.constant 0 : i32
    return %c0_i32, %c0_i32_0 : i32, i32
  }
  func.func @transform_2(%arg0: i32) -> (i32, i32) {
    %c0_i32 = arith.constant 0 : i32
    %c0_i32_0 = arith.constant 0 : i32
    return %arg0, %c0_i32 : i32, i32
  }
}

</mosaic_0001>

<sc_bundles>
// kernel: sparse-core-data-format-call.1.cloned.1.call-start
scs
called_computation.1_lowered:
.L_overlay_start_0:
0x0: {  	s1 =	sld [smem:$0x3FD9]  }
0x1: {  	s2 =	sld [smem:$0x3FFE];
	_ =	sdelay $0x1  }
0x2: {  	s3 =	srdreg.scid  }
0x3: {  	s0 =	sand.u32 $0x1, s3  }
0x4: {  	s17 =	sshll.u32 s0, $0xA;
	s1 =	sadd.s32 s2, s1  }
0x5: {  	s1 =	sadd.s32 s1, s17  }
0x6: {  	[smem:$0x3FC4] =	sst s1  }
0x7: {  	_ = 	snop  }
0x8: {  	(tm) =	ssettm $0x1  }
0x9: {  	s18 =	sld [smem:$0x3FFB];
	_ =	sdelay $0x3  }
0xa: {  	_ =	strace s18  }
0xb: {  	s1 =	sld [smem:$0x3FFC];
	_ =	sdelay $0x3  }
0xc: {  	_ =	strace s1  }
0xd: {  	s1 =	sld [smem:$0x3FFD];
	_ =	sdelay $0x3  }
0xe: {  	_ =	strace s1  }
0xf: {  	_ =	strace $0x8FFFFFFF  }
0x10: {  	s19 =	sld [smem:$0x3FDB];
	_ =	sdelay $0x1  }
0x11: {  	s20 =	simm.s32 $_scs_section_size  }
0x12: {  	s4 =	simm.s32 $_size__tile_overlayer_lowered;
	s5 =	simm.s32 $_tile_overlayer_lowered  }
0x13: {  	s23 =	simm.s32 $0x1BFF;
	s22 =	sshll.u32 s5, $0x1;
	s1 =	sadd.s32 s20, s19  }
0x14: {  	s6 =	simm.s32 $0x0;
	s21 =	sshll.u32 s4, $0x1;
	s4 =	sadd.s32 s22, s1  }
0x15: {  	[timem:s6], [sflag:s23] =	dma.local [hbm:s4], s21  }
0x16: {  	_ =	swait.ge [sflag:s23], s21  }
0x17: {  	s2 =	ssub.s32 $0x0, s21;
	[sflag:s23] =	ssyncset.done $0x0  }
0x18: {  	[sflag:s23] =	ssyncadd.s32 s2;
	_ =	sdelay $0x1  }
0x19: {  	s24 =	simm.s32 $0x1B8B  }
0x1a: {  	_ =	swait.ge [sflag:s24], $0x1  }
0x1b: {  	[sflag:s24] =	ssyncset.done $0x0  }
0x1c: {  	s26 =	simm.s32 $0x1B8E;
	s25 =	sld [smem:$0x3FFE];
	[sflag:s24] =	ssyncadd.s32 $0xFFFFFFFF  }
0x1d: {  	s27 =	simm.s32 $execute0_lowered;
	[smem:$0x3FD2] =	sst s26  }
0x1e: {  	s4 =	sshll.u32 s27, $0x1;
	_ =	strace $0x80000046;
	[dreg:$0x1] =	wrdreg $0xFFFFFFFF  }
0x1f: {  	s28 =	simm.s32 $_size_execute0_lowered;
	s1 =	sadd.s32 s1, s4;
	[dreg:$0x0] =	wrdreg $0x0  }
0x20: {  	s4 =	sshll.u32 s28, $0x1;
	[dreg:$0x2] =	wrdreg s1  }
0x21: {  	[dreg:$0x3] =	wrdreg s4  }
0x22: {  	[dreg:$0x4] =	wrdreg $0xC0  }
0x23: {  	_ =	task [dreg:s6], $0x5FFFF  }
0x24: {  	[dreg:$0x1] =	wrdreg $0xFFFFFFFF  }
0x25: {  	[dreg:$0x0] =	wrdreg $0x60  }
0x26: {  	[dreg:$0x2] =	wrdreg s25  }
0x27: {  	[dreg:$0x3] =	wrdreg $0x9  }
0x28: {  	_ =	task.clear_ibuf [dreg:s6], $0x4FFFF;
	_ =	strace $0x90000046  }
0x29: {  	s29 =	simm.s32 $0x9;
	_ =	strace $0x80000048  }
0x2a: {  	_ =	swait.ge [sflag:s29], $0x1  }
0x2b: {  	[sflag:s29] =	ssyncadd.s32 $0xFFFFFFFF  }
0x2c: {  	_ =	strace $0x90000048  }
0x2d: {  	_ =	sfence  }
0x2e: {  	s30 =	sld [smem:$0x0];
	_ =	sdelay $0x2  }
0x2f: {  	s31 =	sshll.u32 s3, $0xD;
	s3 =	sshrl.u32 s3, $0x2  }
0x30: {  	s2 =	sand.u32 $0x4000, s31;
	s1 =	sadd.s32 s3, s30  }
0x31: {  	s0 =	sor.u32 s2, s0;
	s1 =	sshll.u32 s1, $0x11  }
0x32: {  	s0 =	sor.u32 s1, s0  }
0x33: {  	s0 =	sadd.s32 $0x8F2B, s0  }
0x34: {  	[sflag:s0] =	ssyncadd.remote.s32 $0x1  }
0x35: {  	_ =	sfence.sel $0xFFFF  }
0x36: {  	[dreg:$0x0] =	wrdreg $0xFFFFFFFF;
	(pc) =	sbr.abs _section_cstart, $3  }
0x37: {  	[dreg:$0x1] =	wrdreg $0xFFFFFFFF  }
0x38: {  	_ =	task.clear_ibuf [dreg:s6], $0x2FFFF;
	_ =	strace $0x9FFFFFFF  }
0x39: {  	(tm) =	ssettm $0x7FFFFFFF  }
tec
execute0_lowered:
.L_overlay_start_1:
0x0: {  	(tag) =	ssettag $0x1  }
0x1: {  	s0 =	srdreg.scid  }
0x2: {  	s1 =	sshll.u32 s0, $0x4  }
0x3: {  	s0 =	stileid.u32;
	s1 =	sand.u32 $0x10, s1  }
0x4: {  	s3 =	rddreg [dreg:$0x0];
	s5 =	simm.s32 $0x1;
	s1 =	sor.u32 s0, s1  }
0x5: {  	s7 =	simm.s32 $0x2;
	s13 =	simm.s32 $0x0;
	s2 =	sshll.u32 s1, $0x7  }
0x6: {  	s8 =	simm.s32 $0x10000;
	s12 =	simm.s32 $0x0;
	s4 =	ssub.s32 $0x2000, s2  }
0x7: {  	s9 =	simm.s32 $0x0;
	s1 =	rddreg [dreg:$0x1];
	s31 =	sand.u32 $0xF80, s4  }
.Ltmp0:
0x8: {  	_ =	strace $0x80000047;
	p0 =	sne.s32 s31, $0x0;
	(pc) =	sbr.rel .LBB1_1-.Ltmp0, $4  }
0x9: {  	s6 =	sshrl.u32 s4, $0xC;
	s4 =	simm.s32 $0x1;
	s5 =	simm.s32 @!p0 $0x0  }
0xa: {  	s11 =	simm.s32 $0x0;
	[sflag:s4] =	ssyncpa.u1 $0x0;
	s5 =	sadd.s32 s5, s6  }
0xb: {  	s10 =	smov.u32 s2;
	[sflag:s7] =	ssyncpa.u1 $0x0;
	s5 =	sshll.u32 s5, $0x6  }
0xc: {  	p0 =	por $0x0, $0x0;
	s6 =	sadd.s32 $0x800000, s3;
	s7 =	sor.u32 $0x1, s5  }
.LBB1_4:
0xd: {  	v5 =	vld [tilespmem:s16+$0xFFFFFFD0]  }
0xe: {  	[tilespmem:s17+$0x2040 ss:$0x81] =	vst.msk $0xffff, v1;
	v58 =	vld [tilespmem:s16+$0xFFFFFFE0]  }
0xf: {  	[tilespmem:s17+$0x2850 ss:$0x81] =	vst.msk $0xffff, v2;
	v59 =	vld [tilespmem:s16+$0xFFFFFFF0]  }
0x10: {  	s18 =	sshra.s32 s18, $0x2;
	[tilespmem:s17+$0x3060 ss:$0x81] =	vst.msk $0xffff, v3;
	v60 =	vld [tilespmem:s16+$0x0]  }
0x11: {  	[tilespmem:s17+$0x0 ss:$0x81] =	vst.msk $0xffff, v0;
	v61 =	vld [tilespmem:s16+$0x10];
	s15 =	sadd.s32 s18, s15  }
0x12: {  	s26 =	sshll.u32 s13, $0xD;
	v62 =	vld [tilespmem:s16+$0x20];
	[tilespmem:s15+$0x3870 ss:$0x81] =	vst.msk $0xffff, v4  }
0x13: {  	s27 =	sand.u32 $0x78, s12;
	s19 =	sshll.u32 s12, $0x3;
	v63 =	vld [tilespmem:s16+$0xFFFFFFC0];
	s29 =	sshll.u32 s13, $0x7;
	[tilespmem:s15+$0x810 ss:$0x81] =	vst.msk $0xffff, v5  }
0x14: {  	s17 =	sand.u32 $0x3FF0000, s26;
	s28 =	sand.u32 $0x3FFFC00, s19;
	s19 =	sand.u32 $0x1C00, s19;
	[tilespmem:s15+$0x1020 ss:$0x81] =	vst.msk $0xffff, v58  }
0x15: {  	s13 =	sand.u32 $0x380, s29;
	s16 =	sadd.s32 s28, s17;
	s30 =	sor.u32 s27, s19;
	[tilespmem:s15+$0x1830 ss:$0x81] =	vst.msk $0xffff, v59  }
0x16: {  	s16 =	sand.u32 $0x3FFE000, s16;
	s13 =	sor.u32 s13, s30;
	[tilespmem:s15+$0x2040 ss:$0x81] =	vst.msk $0xffff, v60  }
0x17: {  	s31 =	sand.u32 $0x7, s12;
	s13 =	sor.u32 s16, s13;
	[tilespmem:s15+$0x2850 ss:$0x81] =	vst.msk $0xffff, v61  }
0x18: {  	s12 =	sshll.u32 s31, $0x12;
	[tilespmem:s15+$0x3060 ss:$0x81] =	vst.msk $0xffff, v62;
	s13 =	sshrl.u32 s13, $0x3  }
0x19: {  	s12 =	sor.u32 $0x400, s12;
	[tilespmem:s15+$0x0 ss:$0x81] =	vst.msk $0xffff, v63;
	s13 =	sadd.s32 s6, s13  }
0x1a: {  	[hbm4b:s13+s12] =	stream.strided.scatter [tilespmem:s14], [sflag:$0x2], $0x4000, s8, s12, $0x20;
	[tilespmem:$0x10100] =	vst v63  }
.LBB1_5:
0x1b: {  	s14 =	sadd.s32 $0x80, s9  }
0x1c: {  	s12 =	sadd.s32 $0x1000, s10;
	s16 =	smov.u32 s10;
	p2 =	sgt.s32 s14, $0x1FFF  }
0x1d: {  	s16 =	smov.u32 @p2 s12  }
0x1e: {  	s14 =	simm.s32 @p2 $0x0;
	p2 =	sgt.s32 s16, $0x1FFF  }
0x1f: {  	s16 =	smov.u32 @p2 s2;
	p2 =	sne.s32 s11, s7  }
.Ltmp1:
0x20: {  	p1 =	slt.u32 s11, $0x2;
	(pc) =	sbr.rel @!p2 .LBB1_6-.Ltmp1, $4  }
0x21: {  	s15 =	simm.s32 @!p1 $0x2  }
0x22: {  	s13 =	smov.u32 s9;
	p0 =	por !p0, !p0;
	_ =	swait.ge @!p1 [sflag:s15], $0x4000  }
0x23: {  	s12 =	smov.u32 s10;
	[sflag:s15] =	ssyncset.done @!p1 $0x0;
	s9 =	smov.u32 s14  }
0x24: {  	s11 =	sadd.s32 $0x1, s11;
	[sflag:s15] =	ssyncadd.s32 @!p1 $0xFFFFC000;
	s10 =	smov.u32 s16  }
.LBB1_1:
0x25: {  	p1 =	sge.u32 s11, s5;
	s31 =	sadd.s32 $0xFFFFFFFF, s11  }
0x26: {  	s14 =	sand.u32 @!p1 $0x78, s9;
	s15 =	sshll.u32 @!p1 s10, $0xD;
	s16 =	sshll.u32 @!p1 s10, $0x7  }
0x27: {  	s17 =	sshll.u32 @!p1 s9, $0x3;
	s15 =	sand.u32 @!p1 $0x3FF0000, s15;
	s16 =	sand.u32 @!p1 $0x380, s16  }
0x28: {  	s15 =	sadd.s32 @!p1 s15, s17;
	s17 =	sand.u32 @!p1 $0x1C00, s17;
	s14 =	sor.u32 @!p1 s16, s14  }
0x29: {  	s16 =	sxor.u32 @!p1 $0xFFFFFFFF, s11;
	s15 =	sand.u32 @!p1 $0x3FFE000, s15;
	s14 =	sor.u32 @!p1 s17, s14  }
0x2a: {  	s16 =	sshll.u32 @!p1 s16, $0xE;
	s14 =	sor.u32 @!p1 s15, s14;
	s15 =	sand.u32 @!p1 $0x7, s9  }
0x2b: {  	s17 =	simm.s32 @!p1 $0x10000;
	s14 =	sshrl.u32 @!p1 s14, $0x3;
	s15 =	sshll.u32 @!p1 s15, $0x12  }
0x2c: {  	s16 =	sand.u32 @!p1 $0x4000, s16;
	s14 =	sadd.s32 @!p1 s3, s14;
	s15 =	sor.u32 @!p1 $0x400, s15  }
0x2d: {  	[tilespmem:s16], [sflag:$0x1] =	stream.strided.gather @!p1 [hbm4b:s14+s15], $0x4000, s17, s15, $0x38;
	[tilespmem:$0x10100] =	vst v63  }
0x2e: {  	p1 =	sge.u32 s31, s5  }
.Ltmp2:
0x2f: {  	_ = 	snop;
	(pc) =	sbr.rel @p1 .LBB1_5-.Ltmp2, $1  }
0x30: {  	_ =	sdelay $0x3  }
0x31: {  	s14 =	simm.s32 $0x1  }
0x32: {  	_ =	swait.ge [sflag:s4], $0x4000;
	s14 =	simm.s32 @!p0 $0x0  }
0x33: {  	[sflag:s4] =	ssyncset.done $0x0;
	s15 =	sshll.u32 s14, $0xE  }
0x34: {  	[sflag:s4] =	ssyncadd.s32 $0xFFFFC000;
	s16 =	sor.u32 $0x40, s15  }
0x35: {  	s14 =	smul.u32 $0x10200, s14;
	v0 =	vld [tilespmem:s16+$0x30]  }
0x36: {  	v3 =	vld [tilespmem:s16+$0xFFFFFFD0]  }
0x37: {  	s14 =	sshrl.u32 s14, $0x2;
	v4 =	vld [tilespmem:s16+$0xFFFFFFE0]  }
0x38: {  	v5 =	vld [tilespmem:s16+$0xFFFFFFF0];
	s15 =	sor.u32 $0x8000, s14  }
0x39: {  	s31 =	sand.u32 $0x1, s11;
	v1 =	vld [tilespmem:s16+$0x0];
	s17 =	sadd.s32 $0x0, s15  }
0x3a: {  	v2 =	vld [tilespmem:s16+$0x10];
	s14 =	smul.u32 $0x10200, s31;
	[tilespmem:s17+$0x3870 ss:$0x81] =	vst.msk $0xffff, v0  }
0x3b: {  	[tilespmem:s17+$0x810 ss:$0x81] =	vst.msk $0xffff, v3;
	v3 =	vld [tilespmem:s16+$0x20]  }
0x3c: {  	s14 =	sshrl.u32 s14, $0x2;
	v0 =	vld [tilespmem:s16+$0xFFFFFFC0];
	[tilespmem:s17+$0x1020 ss:$0x81] =	vst.msk $0xffff, v4;
	s16 =	sadd.s32 $0x80, s16  }
0x3d: {  	s18 =	simm.s32 $0x4;
	s19 =	simm.s32 $0x8;
	s14 =	sor.u32 $0x8000, s14;
	[tilespmem:s17+$0x1830 ss:$0x81] =	vst.msk $0xffff, v5;
	v4 =	vld [tilespmem:s16+$0x30]  }
.LBB1_3:
0x3e: {  	p1 =	sne.s32 s19, $0x1FC;
	v5 =	vld [tilespmem:s16+$0xFFFFFFD0];
	[tilespmem:s17+$0x2040 ss:$0x81] =	vst.msk $0xffff, v1  }
0x3f: {  	v6 =	vld [tilespmem:s16+$0xFFFFFFE0];
	[tilespmem:s17+$0x2850 ss:$0x81] =	vst.msk $0xffff, v2  }
0x40: {  	s20 =	sshra.s32 s18, $0x2;
	s18 =	smov.u32 s19;
	v7 =	vld [tilespmem:s16+$0xFFFFFFF0];
	[tilespmem:s17+$0x3060 ss:$0x81] =	vst.msk $0xffff, v3  }
.Ltmp3:
0x41: {  	v1 =	vld [tilespmem:s16+$0x0];
	[tilespmem:s17+$0x0 ss:$0x81] =	vst.msk $0xffff, v0;
	s17 =	sadd.s32 s20, s15;
	(pc) =	sbr.rel @p1 .LBB1_3-.Ltmp3, $4  }
0x42: {  	v2 =	vld [tilespmem:s16+$0x10];
	[tilespmem:s17+$0x3870 ss:$0x81] =	vst.msk $0xffff, v4  }
0x43: {  	[tilespmem:s17+$0x810 ss:$0x81] =	vst.msk $0xffff, v5;
	v3 =	vld [tilespmem:s16+$0x20]  }
0x44: {  	v0 =	vld [tilespmem:s16+$0xFFFFFFC0];
	[tilespmem:s17+$0x1020 ss:$0x81] =	vst.msk $0xffff, v6;
	s16 =	sadd.s32 $0x80, s16  }
0x45: {  	s19 =	sadd.s32 $0x4, s19;
	v4 =	vld [tilespmem:s16+$0x30];
	[tilespmem:s17+$0x1830 ss:$0x81] =	vst.msk $0xffff, v7  }
.Ltmp4:
0x46: {  	_ = 	snop;
	(pc) =	sbr.rel .LBB1_4-.Ltmp4, $1  }
0x47: {  	_ =	sdelay $0x3  }
.LBB1_6:
0x48: {  	_ =	sfence.sel $0x180000  }
0x49: {  	s2 =	simm.s32 $0x1;
	[bflag:$0x0] =	sbarrier.arrive $0xFFFF  }
0x4a: {  	s31 =	simm.s32 $0x2;
	[sflag:s2] =	ssyncpa.u1 $0x1  }
0x4b: {  	[sflag:s31] =	ssyncpa.u1 $0x1  }
0x4c: {  	p0 =	sne.s32 s0, $0x0;
	_ =	strace $0x90000047  }
0x4d: {  	s0 =	sadd.s32 @!p0 $0x100000, s1;
	[bflag:$0x2] =	sbarrier.arrive $0xFFFF  }
0x4e: {  	[sflag:s0] =	ssyncadd.tile.s32 @!p0 $0x1;
	_ =	shalt  }
.Lfunc_end1:
_tile_overlayer_lowered:
.L_overlay_start_2:
0x4f: {  	(tag) =	ssettag $0x2  }
0x50: {  	s0 =	rddreg [dreg:$0x0];
	s2 =	stileid.u32  }
0x51: {  	s1 =	rddreg [dreg:$0x1];
	p0 =	sne.s32 s2, $0x0  }
0x52: {  	s3 =	rddreg [dreg:$0x2];
	[bflag:$0x3] =	sbarrier.arrive $0xFFFF;
	s2 =	simm.s32 @!p0 $0x1C01  }
0x53: {  	[timem:s3], [sflag:s2] =	dma.local @!p0 [hbm:s0], s1  }
0x54: {  	s0 =	simm.s32 @!p0 $0x1  }
0x55: {  	_ =	swait.ge @!p0 [sflag:s0], s1  }
0x56: {  	s1 =	ssub.s32 @!p0 $0x0, s1;
	[sflag:s0] =	ssyncset.done @!p0 $0x0  }
0x57: {  	[sflag:s0] =	ssyncadd.s32 @!p0 s1  }
0x58: {  	[bflag:$0x3] =	sbarrier.arrive $0xFFFF  }
0x59: {  	_ =	shalt  }

// kernel: sparse-core-data-format-call.cloned.1.call-start
scs
called_computation_lowered:
.L_overlay_start_0:
0x0: {  	s1 =	sld [smem:$0x3FD9]  }
0x1: {  	s2 =	sld [smem:$0x3FFE];
	_ =	sdelay $0x1  }
0x2: {  	s3 =	srdreg.scid  }
0x3: {  	s0 =	sand.u32 $0x1, s3  }
0x4: {  	s17 =	sshll.u32 s0, $0xA;
	s1 =	sadd.s32 s2, s1  }
0x5: {  	s1 =	sadd.s32 s1, s17  }
0x6: {  	[smem:$0x3FC4] =	sst s1  }
0x7: {  	_ = 	snop  }
0x8: {  	(tm) =	ssettm $0x1  }
0x9: {  	s18 =	sld [smem:$0x3FFB];
	_ =	sdelay $0x3  }
0xa: {  	_ =	strace s18  }
0xb: {  	s1 =	sld [smem:$0x3FFC];
	_ =	sdelay $0x3  }
0xc: {  	_ =	strace s1  }
0xd: {  	s1 =	sld [smem:$0x3FFD];
	_ =	sdelay $0x3  }
0xe: {  	_ =	strace s1  }
0xf: {  	_ =	strace $0x8FFFFFFF  }
0x10: {  	s19 =	sld [smem:$0x3FDB];
	_ =	sdelay $0x1  }
0x11: {  	s20 =	simm.s32 $_scs_section_size  }
0x12: {  	s4 =	simm.s32 $_size__tile_overlayer_lowered;
	s5 =	simm.s32 $_tile_overlayer_lowered  }
0x13: {  	s23 =	simm.s32 $0x1BFF;
	s22 =	sshll.u32 s5, $0x1;
	s1 =	sadd.s32 s20, s19  }
0x14: {  	s6 =	simm.s32 $0x0;
	s21 =	sshll.u32 s4, $0x1;
	s4 =	sadd.s32 s22, s1  }
0x15: {  	[timem:s6], [sflag:s23] =	dma.local [hbm:s4], s21  }
0x16: {  	_ =	swait.ge [sflag:s23], s21  }
0x17: {  	s2 =	ssub.s32 $0x0, s21;
	[sflag:s23] =	ssyncset.done $0x0  }
0x18: {  	[sflag:s23] =	ssyncadd.s32 s2;
	_ =	sdelay $0x1  }
0x19: {  	s24 =	simm.s32 $0x1B8B  }
0x1a: {  	_ =	swait.ge [sflag:s24], $0x1  }
0x1b: {  	[sflag:s24] =	ssyncset.done $0x0  }
0x1c: {  	s26 =	simm.s32 $0x1B8E;
	s25 =	sld [smem:$0x3FFE];
	[sflag:s24] =	ssyncadd.s32 $0xFFFFFFFF  }
0x1d: {  	s27 =	simm.s32 $execute0_lowered;
	[smem:$0x3FD2] =	sst s26  }
0x1e: {  	s4 =	sshll.u32 s27, $0x1;
	_ =	strace $0x80000049;
	[dreg:$0x1] =	wrdreg $0xFFFFFFFF  }
0x1f: {  	s28 =	simm.s32 $_size_execute0_lowered;
	s1 =	sadd.s32 s1, s4;
	[dreg:$0x0] =	wrdreg $0x0  }
0x20: {  	s4 =	sshll.u32 s28, $0x1;
	[dreg:$0x2] =	wrdreg s1  }
0x21: {  	[dreg:$0x3] =	wrdreg s4  }
0x22: {  	[dreg:$0x4] =	wrdreg $0xC0  }
0x23: {  	_ =	task [dreg:s6], $0x5FFFF  }
0x24: {  	[dreg:$0x1] =	wrdreg $0xFFFFFFFF  }
0x25: {  	[dreg:$0x0] =	wrdreg $0x60  }
0x26: {  	[dreg:$0x2] =	wrdreg s25  }
0x27: {  	[dreg:$0x3] =	wrdreg $0x9  }
0x28: {  	_ =	task.clear_ibuf [dreg:s6], $0x4FFFF;
	_ =	strace $0x90000049  }
0x29: {  	s29 =	simm.s32 $0x9;
	_ =	strace $0x8000004B  }
0x2a: {  	_ =	swait.ge [sflag:s29], $0x1  }
0x2b: {  	[sflag:s29] =	ssyncadd.s32 $0xFFFFFFFF  }
0x2c: {  	_ =	strace $0x9000004B  }
0x2d: {  	_ =	sfence  }
0x2e: {  	s30 =	sld [smem:$0x0];
	_ =	sdelay $0x2  }
0x2f: {  	s31 =	sshll.u32 s3, $0xD;
	s3 =	sshrl.u32 s3, $0x2  }
0x30: {  	s2 =	sand.u32 $0x4000, s31;
	s1 =	sadd.s32 s3, s30  }
0x31: {  	s0 =	sor.u32 s2, s0;
	s1 =	sshll.u32 s1, $0x11  }
0x32: {  	s0 =	sor.u32 s1, s0  }
0x33: {  	s0 =	sadd.s32 $0x8F2B, s0  }
0x34: {  	[sflag:s0] =	ssyncadd.remote.s32 $0x1  }
0x35: {  	_ =	sfence.sel $0xFFFF  }
0x36: {  	[dreg:$0x0] =	wrdreg $0xFFFFFFFF;
	(pc) =	sbr.abs _section_cstart, $3  }
0x37: {  	[dreg:$0x1] =	wrdreg $0xFFFFFFFF  }
0x38: {  	_ =	task.clear_ibuf [dreg:s6], $0x2FFFF;
	_ =	strace $0x9FFFFFFF  }
0x39: {  	(tm) =	ssettm $0x7FFFFFFF  }
tec
execute0_lowered:
.L_overlay_start_1:
0x0: {  	(tag) =	ssettag $0x1  }
0x1: {  	s2 =	rddreg [dreg:$0x0]  }
0x2: {  	s0 =	rddreg [dreg:$0x1];
	_ =	strace $0x8000004A;
	s4 =	srdreg.scid  }
.Ltmp0:
0x3: {  	s1 =	stileid.u32;
	s6 =	simm.s32 $0x2;
	(pc) =	sbr.rel .LBB1_1-.Ltmp0, $4  }
0x4: {  	p0 =	por $0x0, $0x0;
	s9 =	simm.s32 $0x0;
	s5 =	sshll.u32 s4, $0x4  }
0x5: {  	s7 =	simm.s32 $0x0;
	s4 =	simm.s32 $0x1;
	s5 =	sand.u32 $0x10, s5  }
0x6: {  	s3 =	sadd.s32 $0x400000, s2;
	[sflag:s4] =	ssyncpa.u1 $0x0;
	s5 =	sor.u32 s1, s5  }
0x7: {  	[sflag:s6] =	ssyncpa.u1 $0x0;
	s6 =	simm.s32 $0x0;
	s8 =	smov.u32 s5  }
.LBB1_7:
0x8: {  	s11 =	sadd.s32 $0x20, s8  }
0x9: {  	p1 =	slt.u32 s7, $0x2;
	s7 =	sadd.s32 $0x1, s7;
	p2 =	sgt.s32 s11, $0x3FF  }
0xa: {  	s11 =	smov.u32 @p2 s5;
	p2 =	sne.s32 s7, $0x22  }
.Ltmp1:
0xb: {  	_ = 	snop;
	(pc) =	sbr.rel @!p2 .LBB1_8-.Ltmp1, $4  }
0xc: {  	s10 =	simm.s32 @!p1 $0x2  }
0xd: {  	_ =	swait.ge @!p1 [sflag:s10], $0x4000  }
0xe: {  	s9 =	smov.u32 s8;
	[sflag:s10] =	ssyncset.done @!p1 $0x0  }
0xf: {  	p0 =	por !p0, !p0;
	s8 =	smov.u32 s11;
	[sflag:s10] =	ssyncadd.s32 @!p1 $0xFFFFC000  }
.LBB1_1:
0x10: {  	p1 =	sgt.u32 s7, $0x1F  }
0x11: {  	s10 =	sxor.u32 @!p1 $0xFFFFFFFF, s7  }
0x12: {  	s11 =	sshll.u32 @!p1 s8, $0xB;
	s10 =	sshll.u32 @!p1 s10, $0xE  }
0x13: {  	s12 =	simm.s32 @!p1 $0x0;
	s11 =	sadd.s32 @!p1 s3, s11;
	s10 =	sand.u32 @!p1 $0x4000, s10  }
0x14: {  	[tilespmem:s10], [sflag:$0x1] =	stream.linear.gather @!p1 [hbm4b:s11+s12], $0x4000, $0x38;
	[tilespmem:$0x10000] =	vst v63  }
0x15: {  	p1 =	seq.s32 s7, $0x0  }
0x16: {  	p2 =	seq.s32 @!p1 s7, $0x21  }
0x17: {  	p1 =	por p1, p2  }
.Ltmp2:
0x18: {  	_ = 	snop;
	(pc) =	sbr.rel @p1 .LBB1_7-.Ltmp2, $1  }
0x19: {  	_ =	sdelay $0x3  }
0x1a: {  	s10 =	simm.s32 $0x1;
	_ =	swait.ge [sflag:s4], $0x4000;
	s12 =	sshll.u32 s7, $0xE  }
0x1b: {  	s13 =	simm.s32 $0x0;
	s10 =	simm.s32 @!p0 $0x0;
	[sflag:s4] =	ssyncset.done $0x0  }
0x1c: {  	s12 =	sand.u32 $0x4000, s12;
	s11 =	sshll.u32 s10, $0xE;
	[sflag:s4] =	ssyncadd.s32 $0xFFFFC000  }
0x1d: {  	s12 =	sor.u32 $0x8000, s12;
	s10 =	sor.u32 $0x8040, s11;
	s11 =	sor.u32 $0x40, s11  }
.LBB1_3:
0x1e: {  	v0 =	vmov s11;
	_ =	sdelay $0x3  }
0x1f: {  	s15 =	simm.s32 $0x0  }
0x20: {  	v6 =	vld.idx.msk [tilespmem:v0+s15+$0x30 ss:$0x1], $0xffff  }
0x21: {  	v7 =	vld.idx.msk [tilespmem:v0+s15+$0xFFFFFFC0 ss:$0x1], $0xffff  }
0x22: {  	v5 =	vld.idx.msk [tilespmem:v0+s15+$0xFFFFFFD0 ss:$0x1], $0xffff  }
0x23: {  	v4 =	vld.idx.msk [tilespmem:v0+s15+$0xFFFFFFE0 ss:$0x1], $0xffff  }
0x24: {  	v3 =	vld.idx.msk [tilespmem:v0+s15+$0xFFFFFFF0 ss:$0x1], $0xffff  }
0x25: {  	v1 =	vld.idx.msk [tilespmem:v0+s15+$0x0 ss:$0x1], $0xffff  }
0x26: {  	v2 =	vld.idx.msk [tilespmem:v0+s15+$0x10 ss:$0x1], $0xffff;
	[tilespmem:s10+$0x30] =	vst v6  }
0x27: {  	s14 =	simm.s32 $0x80;
	s16 =	simm.s32 $0x400;
	[tilespmem:s10+$0xFFFFFFC0] =	vst v7;
	v6 =	vld.idx.msk [tilespmem:v0+s15+$0x20 ss:$0x1], $0xffff;
	s15 =	smov.u32 s10  }
.LBB1_4:
0x28: {  	p1 =	sne.s32 s16, $0xE00;
	v7 =	vld.idx.msk [tilespmem:v0+s14+$0x30 ss:$0x1], $0xffff;
	[tilespmem:s15+$0xFFFFFFD0] =	vst v5  }
0x29: {  	v8 =	vld.idx.msk [tilespmem:v0+s14+$0xFFFFFFC0 ss:$0x1], $0xffff;
	[tilespmem:s15+$0xFFFFFFE0] =	vst v4  }
0x2a: {  	v5 =	vld.idx.msk [tilespmem:v0+s14+$0xFFFFFFD0 ss:$0x1], $0xffff;
	[tilespmem:s15+$0xFFFFFFF0] =	vst v3  }
.Ltmp3:
0x2b: {  	v4 =	vld.idx.msk [tilespmem:v0+s14+$0xFFFFFFE0 ss:$0x1], $0xffff;
	[tilespmem:s15+$0x0] =	vst v1;
	(pc) =	sbr.rel @p1 .LBB1_4-.Ltmp3, $4  }
0x2c: {  	v3 =	vld.idx.msk [tilespmem:v0+s14+$0xFFFFFFF0 ss:$0x1], $0xffff;
	[tilespmem:s15+$0x10] =	vst v2  }
0x2d: {  	v1 =	vld.idx.msk [tilespmem:v0+s14+$0x0 ss:$0x1], $0xffff;
	[tilespmem:s15+$0x20] =	vst v6;
	s15 =	sadd.s32 $0x800, s15  }
0x2e: {  	v2 =	vld.idx.msk [tilespmem:v0+s14+$0x10 ss:$0x1], $0xffff;
	[tilespmem:s15+$0x30] =	vst v7  }
0x2f: {  	[tilespmem:s15+$0xFFFFFFC0] =	vst v8;
	v6 =	vld.idx.msk [tilespmem:v0+s14+$0x20 ss:$0x1], $0xffff;
	s14 =	sshra.s32 s16, $0x2;
	s16 =	sadd.s32 $0x200, s16  }
0x30: {  	_ =	sdelay $0x2  }
0x31: {  	[tilespmem:s15+$0xFFFFFFD0] =	vst v5  }
0x32: {  	v56 =	vld.idx.msk [tilespmem:v0+s14+$0x30 ss:$0x1], $0xffff;
	[tilespmem:s15+$0xFFFFFFE0] =	vst v4  }
0x33: {  	v57 =	vld.idx.msk [tilespmem:v0+s14+$0xFFFFFFC0 ss:$0x1], $0xffff;
	[tilespmem:s15+$0xFFFFFFF0] =	vst v3  }
0x34: {  	v58 =	vld.idx.msk [tilespmem:v0+s14+$0xFFFFFFD0 ss:$0x1], $0xffff;
	[tilespmem:s15+$0x0] =	vst v1  }
0x35: {  	v59 =	vld.idx.msk [tilespmem:v0+s14+$0xFFFFFFE0 ss:$0x1], $0xffff;
	[tilespmem:s15+$0x10] =	vst v2  }
0x36: {  	v60 =	vld.idx.msk [tilespmem:v0+s14+$0xFFFFFFF0 ss:$0x1], $0xffff;
	s31 =	sadd.s32 $0x800, s15;
	[tilespmem:s15+$0x20] =	vst v6  }
0x37: {  	v61 =	vld.idx.msk [tilespmem:v0+s14+$0x0 ss:$0x1], $0xffff;
	[tilespmem:s31+$0x30] =	vst v56  }
0x38: {  	v62 =	vld.idx.msk [tilespmem:v0+s14+$0x10 ss:$0x1], $0xffff;
	s13 =	sadd.s32 $0x1, s13;
	[tilespmem:s31+$0xFFFFFFC0] =	vst v57  }
0x39: {  	v63 =	vld.idx.msk [tilespmem:v0+s14+$0x20 ss:$0x1], $0xffff;
	p1 =	sne.s32 s13, $0x10;
	[tilespmem:s31+$0xFFFFFFD0] =	vst v58  }
.Ltmp4:
0x3a: {  	[tilespmem:s31+$0xFFFFFFE0] =	vst v59;
	(pc) =	sbr.rel @p1 .LBB1_3-.Ltmp4, $4  }
0x3b: {  	[tilespmem:s31+$0xFFFFFFF0] =	vst v60  }
0x3c: {  	[tilespmem:s31+$0x0] =	vst v61  }
0x3d: {  	[tilespmem:s31+$0x10] =	vst v62  }
0x3e: {  	s10 =	sadd.s32 $0x80, s10;
	s11 =	sadd.s32 $0x400, s11;
	[tilespmem:s31+$0x20] =	vst v63  }
.Ltmp5:
0x3f: {  	(pc) =	sbr.rel .LBB1_7-.Ltmp5, $4  }
0x40: {  	_ = 	snop  }
0x41: {  	s9 =	sshll.u32 s9, $0xB  }
0x42: {  	s9 =	sadd.s32 s2, s9  }
0x43: {  	[hbm4b:s9+s6] =	stream.linear.scatter [tilespmem:s12], [sflag:$0x2], $0x4000, $0x38;
	[tilespmem:$0x10000] =	vst v63  }
.LBB1_8:
0x44: {  	_ =	sfence.sel $0x180000  }
0x45: {  	s2 =	simm.s32 $0x1;
	[bflag:$0x0] =	sbarrier.arrive $0xFFFF  }
0x46: {  	s31 =	simm.s32 $0x2;
	[sflag:s2] =	ssyncpa.u1 $0x1  }
0x47: {  	[sflag:s31] =	ssyncpa.u1 $0x1  }
0x48: {  	p0 =	sne.s32 s1, $0x0;
	_ =	strace $0x9000004A  }
0x49: {  	s0 =	sadd.s32 @!p0 $0x100000, s0;
	[bflag:$0x2] =	sbarrier.arrive $0xFFFF  }
0x4a: {  	[sflag:s0] =	ssyncadd.tile.s32 @!p0 $0x1;
	_ =	shalt  }
.Lfunc_end1:
_tile_overlayer_lowered:
.L_overlay_start_2:
0x4b: {  	(tag) =	ssettag $0x2  }
0x4c: {  	s0 =	rddreg [dreg:$0x0];
	s2 =	stileid.u32  }
0x4d: {  	s1 =	rddreg [dreg:$0x1];
	p0 =	sne.s32 s2, $0x0  }
0x4e: {  	s3 =	rddreg [dreg:$0x2];
	[bflag:$0x3] =	sbarrier.arrive $0xFFFF;
	s2 =	simm.s32 @!p0 $0x1C01  }
0x4f: {  	[timem:s3], [sflag:s2] =	dma.local @!p0 [hbm:s0], s1  }
0x50: {  	s0 =	simm.s32 @!p0 $0x1  }
0x51: {  	_ =	swait.ge @!p0 [sflag:s0], s1  }
0x52: {  	s1 =	ssub.s32 @!p0 $0x0, s1;
	[sflag:s0] =	ssyncset.done @!p0 $0x0  }
0x53: {  	[sflag:s0] =	ssyncadd.s32 @!p0 s1  }
0x54: {  	[bflag:$0x3] =	sbarrier.arrive $0xFFFF  }
0x55: {  	_ =	shalt  }

</sc_bundles>
